<compile_context>
chip_gen: v7x
topology: tpu7x:2x2x1
jax: 0.10.2.dev20260603
libtpu: 0.0.44.dev20260713+nightly
codegen_flags: <defaults>
</compile_context>

<pallas_src>
import functools

import jax
import jax.numpy as jnp
from jax.experimental import pallas as pl
from jax.experimental.pallas import tpu as pltpu
from jax.experimental.pallas import tpu_sc as plsc

B, S, H = 8, 512, 768
K_MEM = 65536
KB = 4096


def _scores_body(h_ref, w1_ref, b1_ref, w2r_ref, b2_ref, mk_ref,
                 fw_ref, idx_ref, q_scr, mv_ref, mt_ref):
    kb = pl.program_id(0)

    @pl.when(kb == 0)
    def _():
        hs = h_ref[...]
        q = jnp.sum(hs, axis=1) * (1.0 / S)
        q_scr[...] = q * -2.0
        h1 = jnp.maximum(
            jax.lax.dot_general(q, w1_ref[...], (((1,), (0,)), ((), ())),
                                preferred_element_type=jnp.float32)
            + b1_ref[...], 0.0)
        z = jnp.sum(h1 * w2r_ref[...], axis=1, keepdims=True) + b2_ref[...]
        fw_ref[...] = jnp.broadcast_to(jax.nn.sigmoid(z), (B, 128))

    k = mk_ref[...]
    q2 = q_scr[...]
    qk2 = jax.lax.dot_general(q2, k, (((1,), (1,)), ((), ())),
                              preferred_element_type=jnp.float32)
    kk = k * k
    ksq = jax.lax.dot_general(jnp.ones((B, H), jnp.float32), kk,
                              (((1,), (1,)), ((), ())),
                              preferred_element_type=jnp.float32)
    s = ksq + qk2

    @pl.when(kb == 0)
    def _():
        mv_ref[...] = s
        mt_ref[...] = jnp.zeros((B, KB), jnp.int32)

    @pl.when(kb > 0)
    def _():
        old = mv_ref[...]
        p = s < old
        mt_ref[...] = jnp.where(p, kb, mt_ref[...])
        mv_ref[...] = jnp.where(p, s, old)

    @pl.when(kb == K_MEM // KB - 1)
    def _():
        mv = mv_ref[...]
        gm = mt_ref[...] * KB + jax.lax.broadcasted_iota(
            jnp.int32, (B, KB), 1)
        m = jnp.min(mv, axis=1, keepdims=True)
        sel = jnp.where(mv == m, gm, jnp.int32(2**31 - 1))
        idx8 = jnp.min(sel, axis=1)
        idx_ref[...] = jnp.concatenate(
            [idx8[None, :], jnp.zeros((1, 128 - B), jnp.int32)], axis=1)


def _scores(hidden, g_w1, g_b1, g_w2, g_b2, memory_keys):
    return pl.pallas_call(
        _scores_body,
        grid=(K_MEM // KB,),
        in_specs=[
            pl.BlockSpec((B, S, H), lambda kb: (0, 0, 0)),
            pl.BlockSpec((H, H // 4), lambda kb: (0, 0)),
            pl.BlockSpec((1, H // 4), lambda kb: (0, 0)),
            pl.BlockSpec((1, H // 4), lambda kb: (0, 0)),
            pl.BlockSpec((1, 1), lambda kb: (0, 0)),
            pl.BlockSpec((KB, H), lambda kb: (kb, 0)),
        ],
        out_specs=(
            pl.BlockSpec((B, 128), lambda kb: (0, 0)),
            pl.BlockSpec((1, 128), lambda kb: (0, 0)),
        ),
        out_shape=(
            jax.ShapeDtypeStruct((B, 128), jnp.float32),
            jax.ShapeDtypeStruct((1, 128), jnp.int32),
        ),
        scratch_shapes=[
            pltpu.VMEM((B, H), jnp.float32),
            pltpu.VMEM((B, KB), jnp.float32),
            pltpu.VMEM((B, KB), jnp.int32),
        ],
    )(hidden, g_w1, g_b1.reshape(1, H // 4), g_w2.reshape(1, H // 4),
      g_b2.reshape(1, 1), memory_keys)


def _retrieve(idx, memory_keys):
    mesh = plsc.ScalarSubcoreMesh(axis_name="c", num_cores=1)

    @functools.partial(
        pl.kernel,
        mesh=mesh,
        out_type=jax.ShapeDtypeStruct((B, H), jnp.float32),
        scratch_types=[
            pltpu.SMEM((1, 128), jnp.int32),
            pltpu.SemaphoreType.DMA,
        ],
    )
    def body(idx_hbm, mk_hbm, out_hbm, idx_smem, sem):
        pltpu.sync_copy(idx_hbm, idx_smem)
        cps = []
        for b in range(B):
            i = idx_smem[0, b]
            cps.append(pltpu.async_copy(mk_hbm.at[pl.ds(i, 1)],
                                        out_hbm.at[pl.ds(b, 1)], sem))
        for cp in cps:
            cp.wait()

    return body(idx, memory_keys)


JB = 1


def _fuse_body(fw_ref, h_ref, r_ref, o_ref):
    jb = pl.program_id(0)
    f = fw_ref[:, 0:1]
    for jj in range(JB):
        hh = h_ref[jj]
        rr = r_ref[pl.ds(jb * JB + jj, 1), :]
        d = jnp.broadcast_to(rr, (S, H)) - hh
        for i in range(B):
            o_ref[i, jj] = hh + f[i:i + 1] * d


def _fuse(fw, hidden, retrieved):
    return pl.pallas_call(
        _fuse_body,
        grid=(B // JB,),
        in_specs=[
            pl.BlockSpec((B, 128), lambda j: (0, 0)),
            pl.BlockSpec((JB, S, H), lambda j: (j, 0, 0)),
            pl.BlockSpec((B, H), lambda j: (0, 0)),
        ],
        out_specs=pl.BlockSpec((B, JB, S, H), lambda j: (0, j, 0, 0)),
        out_shape=jax.ShapeDtypeStruct((B, B, S, H), jnp.float32),
    )(fw, hidden, retrieved)


def kernel(hidden_states, memory_keys, g_w1, g_b1, g_w2, g_b2):
    fw, idx = _scores(hidden_states, g_w1, g_b1, g_w2, g_b2, memory_keys)
    retrieved = _retrieve(idx, memory_keys)
    return _fuse(fw, hidden_states, retrieved)

# --- scband reference (transcript-rebuilt; emitter-appended) ---
"""Pipeline reference for scband-enhanced-adaptive-memory-retrieval-154618822922 (READ-ONLY COPY).

The authoritative reference and input builder live on the scoring server;
editing this copy changes nothing except your own understanding.
"""

import jax, jax.numpy as jnp
import numpy as np

B, S, H = 8, 512, 768
K_MEM = 65536
TOPK = 10


def setup_inputs(seed: int = 0) -> dict:
    key = jax.random.key(seed)
    ks = jax.random.split(key, 6)
    hidden_states = jax.random.normal(ks[0], (B, S, H), dtype=jnp.float32)
    # Populated memory bank standing in for the FAISS IndexFlatL2 vector storage
    memory_keys = jax.random.normal(ks[1], (K_MEM, H), dtype=jnp.float32)
    # fusion_gate params: Linear(H, H//4) -> ReLU -> Linear(H//4, 1) -> Sigmoid
    g_w1 = jax.random.normal(ks[2], (H, H // 4), dtype=jnp.float32) * (1.0 / np.sqrt(H))
    g_b1 = jnp.zeros((H // 4,), dtype=jnp.float32)
    g_w2 = jax.random.normal(ks[3], (H // 4, 1), dtype=jnp.float32) * (1.0 / np.sqrt(H // 4))
    g_b2 = jnp.zeros((1,), dtype=jnp.float32)
    return {
        'hidden_states': hidden_states,
        'memory_keys': memory_keys,
        'g_w1': g_w1,
        'g_b1': g_b1,
        'g_w2': g_w2,
        'g_b2': g_b2,
    }


def reference(hidden_states, memory_keys, g_w1, g_b1, g_w2, g_b2):
    # query = hidden_states.mean(dim=1)
    query = jnp.mean(hidden_states, axis=1)  # [B, H]
    # FAISS IndexFlatL2 exact search: squared L2 distances to every memory vector
    q_sq = jnp.sum(query * query, axis=1, keepdims=True)          # [B, 1]
    k_sq = jnp.sum(memory_keys * memory_keys, axis=1)[None, :]     # [1, K]
    d2 = q_sq - 2.0 * (query @ memory_keys.T) + k_sq               # [B, K]
    # top-k nearest (smallest distance) -> take first (nearest) as retrieved vector
    _, idx = jax.lax.top_k(-d2, TOPK)                              # [B, TOPK]
    nearest = idx[:, 0]                                            # [B]
    retrieved_states = jnp.take(memory_keys, nearest, axis=0)      # [B, H]
    # fusion_gate(query): Linear -> ReLU -> Linear -> Sigmoid
    h1 = jax.nn.relu(query @ g_w1 + g_b1)
    fusion_weight = jax.nn.sigmoid(h1 @ g_w2 + g_b2)               # [B, 1]
    # retrieved_states.unsqueeze(1).expand(-1, seq_len, -1)
    retrieved_expanded = jnp.broadcast_to(retrieved_states[:, None, :], (B, S, H))
    # fusion_weight.unsqueeze(1).unsqueeze(2) -> [B, 1, 1, 1]; torch broadcasting with
    # [B, S, H] yields [B, B, S, H] (replicated faithfully from the original module)
    fw4 = fusion_weight[:, None, None, :]                          # [B, 1, 1, 1]
    fused_output = (1.0 - fw4) * hidden_states + fw4 * retrieved_expanded  # [B, B, S, H]
    return fused_output

if __name__ == "__main__":
    import jax
    _d = setup_inputs()
    print(jax.jit(kernel)(*tuple(_d.values())))

</pallas_src>

<mosaic_0001>
#map = affine_map<(d0) -> (0, 0)>
module attributes {stable_mosaic.version = 14 : i64} {
  func.func @body(%arg0: i32, %arg1: memref<1x128xi32, #tpu.memory_space<hbm>>, %arg2: memref<65536x768xf32, #tpu.memory_space<hbm>>, %arg3: memref<8x768xf32, #tpu.memory_space<hbm>>, %arg4: memref<1x128xi32, #tpu.memory_space<smem>>, %arg5: memref<!tpu.dma_semaphore, #tpu.memory_space<semaphore_mem>>) attributes {dimension_semantics = [#tpu.dimension_semantics<core_parallel>], iteration_bounds = array<i64: 1>, scalar_prefetch = 0 : i64, scratch_operands = 2 : i64, tpu.core_type = #tpu.core_type<sc_scalar_subcore>, window_params = [{transform_indices = #map}, {transform_indices = #map}, {transform_indices = #map}]} {
    "tpu.region"() ({
      %run_scoped3A = tpu.sem_alloc : memref<!tpu.dma_semaphore, #tpu.memory_space<semaphore_mem>>
      tpu.enqueue_dma source(%arg1 : memref<1x128xi32, #tpu.memory_space<hbm>>) target(%arg4 : memref<1x128xi32, #tpu.memory_space<smem>>) target_semaphore(%run_scoped3A : memref<!tpu.dma_semaphore, #tpu.memory_space<semaphore_mem>>)
      tpu.wait_dma2 semaphore(%run_scoped3A : memref<!tpu.dma_semaphore, #tpu.memory_space<semaphore_mem>>) src(%arg1 : memref<1x128xi32, #tpu.memory_space<hbm>>) dst(%arg4 : memref<1x128xi32, #tpu.memory_space<smem>>)
      tpu.yield
    }) : () -> ()
    %get3A = arith.constant 0 : i32
    %get3A_0 = arith.constant 0 : i32
    %get3A_1 = arith.index_cast %get3A : i32 to index
    %get3A_2 = arith.index_cast %get3A_0 : i32 to index
    %get3A_3 = memref.load %arg4[%get3A_1, %get3A_2] : memref<1x128xi32, #tpu.memory_space<smem>>
    %dma_start3A = arith.constant 0 : i32
    %dma_start3A_4 = arith.constant 0 : i32
    %dma_start3A_5 = tpu.memref_slice %arg3[%dma_start3A, %dma_start3A_4] : memref<8x768xf32, #tpu.memory_space<hbm>> -> memref<1x768xf32, #tpu.memory_space<hbm>>
    %dma_start3A_6 = arith.constant 0 : i32
    %dma_start3A_7 = tpu.memref_slice %arg2[%get3A_3, %dma_start3A_6] : memref<65536x768xf32, #tpu.memory_space<hbm>> -> memref<1x768xf32, #tpu.memory_space<hbm>>
    tpu.enqueue_dma source(%dma_start3A_7 : memref<1x768xf32, #tpu.memory_space<hbm>>) target(%dma_start3A_5 : memref<1x768xf32, #tpu.memory_space<hbm>>) target_semaphore(%arg5 : memref<!tpu.dma_semaphore, #tpu.memory_space<semaphore_mem>>)
    %get3A_8 = arith.constant 0 : i32
    %get3A_9 = arith.constant 1 : i32
    %get3A_10 = arith.index_cast %get3A_8 : i32 to index
    %get3A_11 = arith.index_cast %get3A_9 : i32 to index
    %get3A_12 = memref.load %arg4[%get3A_10, %get3A_11] : memref<1x128xi32, #tpu.memory_space<smem>>
    %dma_start3A_13 = arith.constant 1 : i32
    %dma_start3A_14 = arith.constant 0 : i32
    %dma_start3A_15 = tpu.memref_slice %arg3[%dma_start3A_13, %dma_start3A_14] : memref<8x768xf32, #tpu.memory_space<hbm>> -> memref<1x768xf32, #tpu.memory_space<hbm>>
    %dma_start3A_16 = arith.constant 0 : i32
    %dma_start3A_17 = tpu.memref_slice %arg2[%get3A_12, %dma_start3A_16] : memref<65536x768xf32, #tpu.memory_space<hbm>> -> memref<1x768xf32, #tpu.memory_space<hbm>>
    tpu.enqueue_dma source(%dma_start3A_17 : memref<1x768xf32, #tpu.memory_space<hbm>>) target(%dma_start3A_15 : memref<1x768xf32, #tpu.memory_space<hbm>>) target_semaphore(%arg5 : memref<!tpu.dma_semaphore, #tpu.memory_space<semaphore_mem>>)
    %get3A_18 = arith.constant 0 : i32
    %get3A_19 = arith.constant 2 : i32
    %get3A_20 = arith.index_cast %get3A_18 : i32 to index
    %get3A_21 = arith.index_cast %get3A_19 : i32 to index
    %get3A_22 = memref.load %arg4[%get3A_20, %get3A_21] : memref<1x128xi32, #tpu.memory_space<smem>>
    %dma_start3A_23 = arith.constant 2 : i32
    %dma_start3A_24 = arith.constant 0 : i32
    %dma_start3A_25 = tpu.memref_slice %arg3[%dma_start3A_23, %dma_start3A_24] : memref<8x768xf32, #tpu.memory_space<hbm>> -> memref<1x768xf32, #tpu.memory_space<hbm>>
    %dma_start3A_26 = arith.constant 0 : i32
    %dma_start3A_27 = tpu.memref_slice %arg2[%get3A_22, %dma_start3A_26] : memref<65536x768xf32, #tpu.memory_space<hbm>> -> memref<1x768xf32, #tpu.memory_space<hbm>>
    tpu.enqueue_dma source(%dma_start3A_27 : memref<1x768xf32, #tpu.memory_space<hbm>>) target(%dma_start3A_25 : memref<1x768xf32, #tpu.memory_space<hbm>>) target_semaphore(%arg5 : memref<!tpu.dma_semaphore, #tpu.memory_space<semaphore_mem>>)
    %get3A_28 = arith.constant 0 : i32
    %get3A_29 = arith.constant 3 : i32
    %get3A_30 = arith.index_cast %get3A_28 : i32 to index
    %get3A_31 = arith.index_cast %get3A_29 : i32 to index
    %get3A_32 = memref.load %arg4[%get3A_30, %get3A_31] : memref<1x128xi32, #tpu.memory_space<smem>>
    %dma_start3A_33 = arith.constant 3 : i32
    %dma_start3A_34 = arith.constant 0 : i32
    %dma_start3A_35 = tpu.memref_slice %arg3[%dma_start3A_33, %dma_start3A_34] : memref<8x768xf32, #tpu.memory_space<hbm>> -> memref<1x768xf32, #tpu.memory_space<hbm>>
    %dma_start3A_36 = arith.constant 0 : i32
    %dma_start3A_37 = tpu.memref_slice %arg2[%get3A_32, %dma_start3A_36] : memref<65536x768xf32, #tpu.memory_space<hbm>> -> memref<1x768xf32, #tpu.memory_space<hbm>>
    tpu.enqueue_dma source(%dma_start3A_37 : memref<1x768xf32, #tpu.memory_space<hbm>>) target(%dma_start3A_35 : memref<1x768xf32, #tpu.memory_space<hbm>>) target_semaphore(%arg5 : memref<!tpu.dma_semaphore, #tpu.memory_space<semaphore_mem>>)
    %get3A_38 = arith.constant 0 : i32
    %get3A_39 = arith.constant 4 : i32
    %get3A_40 = arith.index_cast %get3A_38 : i32 to index
    %get3A_41 = arith.index_cast %get3A_39 : i32 to index
    %get3A_42 = memref.load %arg4[%get3A_40, %get3A_41] : memref<1x128xi32, #tpu.memory_space<smem>>
    %dma_start3A_43 = arith.constant 4 : i32
    %dma_start3A_44 = arith.constant 0 : i32
    %dma_start3A_45 = tpu.memref_slice %arg3[%dma_start3A_43, %dma_start3A_44] : memref<8x768xf32, #tpu.memory_space<hbm>> -> memref<1x768xf32, #tpu.memory_space<hbm>>
    %dma_start3A_46 = arith.constant 0 : i32
    %dma_start3A_47 = tpu.memref_slice %arg2[%get3A_42, %dma_start3A_46] : memref<65536x768xf32, #tpu.memory_space<hbm>> -> memref<1x768xf32, #tpu.memory_space<hbm>>
    tpu.enqueue_dma source(%dma_start3A_47 : memref<1x768xf32, #tpu.memory_space<hbm>>) target(%dma_start3A_45 : memref<1x768xf32, #tpu.memory_space<hbm>>) target_semaphore(%arg5 : memref<!tpu.dma_semaphore, #tpu.memory_space<semaphore_mem>>)
    %get3A_48 = arith.constant 0 : i32
    %get3A_49 = arith.constant 5 : i32
    %get3A_50 = arith.index_cast %get3A_48 : i32 to index
    %get3A_51 = arith.index_cast %get3A_49 : i32 to index
    %get3A_52 = memref.load %arg4[%get3A_50, %get3A_51] : memref<1x128xi32, #tpu.memory_space<smem>>
    %dma_start3A_53 = arith.constant 5 : i32
    %dma_start3A_54 = arith.constant 0 : i32
    %dma_start3A_55 = tpu.memref_slice %arg3[%dma_start3A_53, %dma_start3A_54] : memref<8x768xf32, #tpu.memory_space<hbm>> -> memref<1x768xf32, #tpu.memory_space<hbm>>
    %dma_start3A_56 = arith.constant 0 : i32
    %dma_start3A_57 = tpu.memref_slice %arg2[%get3A_52, %dma_start3A_56] : memref<65536x768xf32, #tpu.memory_space<hbm>> -> memref<1x768xf32, #tpu.memory_space<hbm>>
    tpu.enqueue_dma source(%dma_start3A_57 : memref<1x768xf32, #tpu.memory_space<hbm>>) target(%dma_start3A_55 : memref<1x768xf32, #tpu.memory_space<hbm>>) target_semaphore(%arg5 : memref<!tpu.dma_semaphore, #tpu.memory_space<semaphore_mem>>)
    %get3A_58 = arith.constant 0 : i32
    %get3A_59 = arith.constant 6 : i32
    %get3A_60 = arith.index_cast %get3A_58 : i32 to index
    %get3A_61 = arith.index_cast %get3A_59 : i32 to index
    %get3A_62 = memref.load %arg4[%get3A_60, %get3A_61] : memref<1x128xi32, #tpu.memory_space<smem>>
    %dma_start3A_63 = arith.constant 6 : i32
    %dma_start3A_64 = arith.constant 0 : i32
    %dma_start3A_65 = tpu.memref_slice %arg3[%dma_start3A_63, %dma_start3A_64] : memref<8x768xf32, #tpu.memory_space<hbm>> -> memref<1x768xf32, #tpu.memory_space<hbm>>
    %dma_start3A_66 = arith.constant 0 : i32
    %dma_start3A_67 = tpu.memref_slice %arg2[%get3A_62, %dma_start3A_66] : memref<65536x768xf32, #tpu.memory_space<hbm>> -> memref<1x768xf32, #tpu.memory_space<hbm>>
    tpu.enqueue_dma source(%dma_start3A_67 : memref<1x768xf32, #tpu.memory_space<hbm>>) target(%dma_start3A_65 : memref<1x768xf32, #tpu.memory_space<hbm>>) target_semaphore(%arg5 : memref<!tpu.dma_semaphore, #tpu.memory_space<semaphore_mem>>)
    %get3A_68 = arith.constant 0 : i32
    %get3A_69 = arith.constant 7 : i32
    %get3A_70 = arith.index_cast %get3A_68 : i32 to index
    %get3A_71 = arith.index_cast %get3A_69 : i32 to index
    %get3A_72 = memref.load %arg4[%get3A_70, %get3A_71] : memref<1x128xi32, #tpu.memory_space<smem>>
    %dma_start3A_73 = arith.constant 7 : i32
    %dma_start3A_74 = arith.constant 0 : i32
    %dma_start3A_75 = tpu.memref_slice %arg3[%dma_start3A_73, %dma_start3A_74] : memref<8x768xf32, #tpu.memory_space<hbm>> -> memref<1x768xf32, #tpu.memory_space<hbm>>
    %dma_start3A_76 = arith.constant 0 : i32
    %dma_start3A_77 = tpu.memref_slice %arg2[%get3A_72, %dma_start3A_76] : memref<65536x768xf32, #tpu.memory_space<hbm>> -> memref<1x768xf32, #tpu.memory_space<hbm>>
    tpu.enqueue_dma source(%dma_start3A_77 : memref<1x768xf32, #tpu.memory_space<hbm>>) target(%dma_start3A_75 : memref<1x768xf32, #tpu.memory_space<hbm>>) target_semaphore(%arg5 : memref<!tpu.dma_semaphore, #tpu.memory_space<semaphore_mem>>)
    %dma_wait3A = arith.constant 0 : i32
    %dma_wait3A_78 = arith.constant 0 : i32
    %dma_wait3A_79 = tpu.memref_slice %arg3[%dma_wait3A, %dma_wait3A_78] : memref<8x768xf32, #tpu.memory_space<hbm>> -> memref<1x768xf32, #tpu.memory_space<hbm>>
    %dma_wait3A_80 = arith.constant 0 : i32
    %dma_wait3A_81 = tpu.memref_slice %arg2[%get3A_3, %dma_wait3A_80] : memref<65536x768xf32, #tpu.memory_space<hbm>> -> memref<1x768xf32, #tpu.memory_space<hbm>>
    tpu.wait_dma2 semaphore(%arg5 : memref<!tpu.dma_semaphore, #tpu.memory_space<semaphore_mem>>) src(%dma_wait3A_81 : memref<1x768xf32, #tpu.memory_space<hbm>>) dst(%dma_wait3A_79 : memref<1x768xf32, #tpu.memory_space<hbm>>)
    %dma_wait3A_82 = arith.constant 1 : i32
    %dma_wait3A_83 = arith.constant 0 : i32
    %dma_wait3A_84 = tpu.memref_slice %arg3[%dma_wait3A_82, %dma_wait3A_83] : memref<8x768xf32, #tpu.memory_space<hbm>> -> memref<1x768xf32, #tpu.memory_space<hbm>>
    %dma_wait3A_85 = arith.constant 0 : i32
    %dma_wait3A_86 = tpu.memref_slice %arg2[%get3A_12, %dma_wait3A_85] : memref<65536x768xf32, #tpu.memory_space<hbm>> -> memref<1x768xf32, #tpu.memory_space<hbm>>
    tpu.wait_dma2 semaphore(%arg5 : memref<!tpu.dma_semaphore, #tpu.memory_space<semaphore_mem>>) src(%dma_wait3A_86 : memref<1x768xf32, #tpu.memory_space<hbm>>) dst(%dma_wait3A_84 : memref<1x768xf32, #tpu.memory_space<hbm>>)
    %dma_wait3A_87 = arith.constant 2 : i32
    %dma_wait3A_88 = arith.constant 0 : i32
    %dma_wait3A_89 = tpu.memref_slice %arg3[%dma_wait3A_87, %dma_wait3A_88] : memref<8x768xf32, #tpu.memory_space<hbm>> -> memref<1x768xf32, #tpu.memory_space<hbm>>
    %dma_wait3A_90 = arith.constant 0 : i32
    %dma_wait3A_91 = tpu.memref_slice %arg2[%get3A_22, %dma_wait3A_90] : memref<65536x768xf32, #tpu.memory_space<hbm>> -> memref<1x768xf32, #tpu.memory_space<hbm>>
    tpu.wait_dma2 semaphore(%arg5 : memref<!tpu.dma_semaphore, #tpu.memory_space<semaphore_mem>>) src(%dma_wait3A_91 : memref<1x768xf32, #tpu.memory_space<hbm>>) dst(%dma_wait3A_89 : memref<1x768xf32, #tpu.memory_space<hbm>>)
    %dma_wait3A_92 = arith.constant 3 : i32
    %dma_wait3A_93 = arith.constant 0 : i32
    %dma_wait3A_94 = tpu.memref_slice %arg3[%dma_wait3A_92, %dma_wait3A_93] : memref<8x768xf32, #tpu.memory_space<hbm>> -> memref<1x768xf32, #tpu.memory_space<hbm>>
    %dma_wait3A_95 = arith.constant 0 : i32
    %dma_wait3A_96 = tpu.memref_slice %arg2[%get3A_32, %dma_wait3A_95] : memref<65536x768xf32, #tpu.memory_space<hbm>> -> memref<1x768xf32, #tpu.memory_space<hbm>>
    tpu.wait_dma2 semaphore(%arg5 : memref<!tpu.dma_semaphore, #tpu.memory_space<semaphore_mem>>) src(%dma_wait3A_96 : memref<1x768xf32, #tpu.memory_space<hbm>>) dst(%dma_wait3A_94 : memref<1x768xf32, #tpu.memory_space<hbm>>)
    %dma_wait3A_97 = arith.constant 4 : i32
    %dma_wait3A_98 = arith.constant 0 : i32
    %dma_wait3A_99 = tpu.memref_slice %arg3[%dma_wait3A_97, %dma_wait3A_98] : memref<8x768xf32, #tpu.memory_space<hbm>> -> memref<1x768xf32, #tpu.memory_space<hbm>>
    %dma_wait3A_100 = arith.constant 0 : i32
    %dma_wait3A_101 = tpu.memref_slice %arg2[%get3A_42, %dma_wait3A_100] : memref<65536x768xf32, #tpu.memory_space<hbm>> -> memref<1x768xf32, #tpu.memory_space<hbm>>
    tpu.wait_dma2 semaphore(%arg5 : memref<!tpu.dma_semaphore, #tpu.memory_space<semaphore_mem>>) src(%dma_wait3A_101 : memref<1x768xf32, #tpu.memory_space<hbm>>) dst(%dma_wait3A_99 : memref<1x768xf32, #tpu.memory_space<hbm>>)
    %dma_wait3A_102 = arith.constant 5 : i32
    %dma_wait3A_103 = arith.constant 0 : i32
    %dma_wait3A_104 = tpu.memref_slice %arg3[%dma_wait3A_102, %dma_wait3A_103] : memref<8x768xf32, #tpu.memory_space<hbm>> -> memref<1x768xf32, #tpu.memory_space<hbm>>
    %dma_wait3A_105 = arith.constant 0 : i32
    %dma_wait3A_106 = tpu.memref_slice %arg2[%get3A_52, %dma_wait3A_105] : memref<65536x768xf32, #tpu.memory_space<hbm>> -> memref<1x768xf32, #tpu.memory_space<hbm>>
    tpu.wait_dma2 semaphore(%arg5 : memref<!tpu.dma_semaphore, #tpu.memory_space<semaphore_mem>>) src(%dma_wait3A_106 : memref<1x768xf32, #tpu.memory_space<hbm>>) dst(%dma_wait3A_104 : memref<1x768xf32, #tpu.memory_space<hbm>>)
    %dma_wait3A_107 = arith.constant 6 : i32
    %dma_wait3A_108 = arith.constant 0 : i32
    %dma_wait3A_109 = tpu.memref_slice %arg3[%dma_wait3A_107, %dma_wait3A_108] : memref<8x768xf32, #tpu.memory_space<hbm>> -> memref<1x768xf32, #tpu.memory_space<hbm>>
    %dma_wait3A_110 = arith.constant 0 : i32
    %dma_wait3A_111 = tpu.memref_slice %arg2[%get3A_62, %dma_wait3A_110] : memref<65536x768xf32, #tpu.memory_space<hbm>> -> memref<1x768xf32, #tpu.memory_space<hbm>>
    tpu.wait_dma2 semaphore(%arg5 : memref<!tpu.dma_semaphore, #tpu.memory_space<semaphore_mem>>) src(%dma_wait3A_111 : memref<1x768xf32, #tpu.memory_space<hbm>>) dst(%dma_wait3A_109 : memref<1x768xf32, #tpu.memory_space<hbm>>)
    %dma_wait3A_112 = arith.constant 7 : i32
    %dma_wait3A_113 = arith.constant 0 : i32
    %dma_wait3A_114 = tpu.memref_slice %arg3[%dma_wait3A_112, %dma_wait3A_113] : memref<8x768xf32, #tpu.memory_space<hbm>> -> memref<1x768xf32, #tpu.memory_space<hbm>>
    %dma_wait3A_115 = arith.constant 0 : i32
    %dma_wait3A_116 = tpu.memref_slice %arg2[%get3A_72, %dma_wait3A_115] : memref<65536x768xf32, #tpu.memory_space<hbm>> -> memref<1x768xf32, #tpu.memory_space<hbm>>
    tpu.wait_dma2 semaphore(%arg5 : memref<!tpu.dma_semaphore, #tpu.memory_space<semaphore_mem>>) src(%dma_wait3A_116 : memref<1x768xf32, #tpu.memory_space<hbm>>) dst(%dma_wait3A_114 : memref<1x768xf32, #tpu.memory_space<hbm>>)
    return
  }
}

module attributes {stable_mosaic.version = 14 : i64} {
  func.func @_fuse_body(%arg0: i32, %arg1: memref<8x128xf32, #tpu.memory_space<vmem>>, %arg2: memref<1x512x768xf32, #tpu.memory_space<vmem>>, %arg3: memref<8x768xf32, #tpu.memory_space<vmem>>, %arg4: memref<8x1x512x768xf32, #tpu.memory_space<vmem>>) attributes {dimension_semantics = [#tpu.dimension_semantics<arbitrary>], iteration_bounds = array<i64: 8>, scalar_prefetch = 0 : i64, scratch_operands = 0 : i64, tpu.core_type = #tpu.core_type<tc>, window_params = [{pipeline_mode = #tpu.pipeline_mode<synchronous>, transform_indices = @transform_0, window_bounds = array<i64: 8, 128>}, {transform_indices = @transform_1, window_bounds = array<i64: 1, 512, 768>}, {pipeline_mode = #tpu.pipeline_mode<synchronous>, transform_indices = @transform_2, window_bounds = array<i64: 8, 768>}, {transform_indices = @transform_3, window_bounds = array<i64: 8, 1, 512, 768>}]} {
    %get3A = arith.constant 0 : index
    %get3A_0 = arith.constant 0 : index
    %get3A_1 = vector.load %arg1[%get3A, %get3A_0] : memref<8x128xf32, #tpu.memory_space<vmem>>, vector<8x1xf32>
    %get3A_2 = arith.constant 0 : index
    %get3A_3 = arith.constant 0 : index
    %get3A_4 = arith.constant 0 : index
    %get3A_5 = vector.load %arg2[%get3A_2, %get3A_3, %get3A_4] : memref<1x512x768xf32, #tpu.memory_space<vmem>>, vector<1x512x768xf32>
    %get3A_6 = vector.shape_cast %get3A_5 : vector<1x512x768xf32> to vector<512x768xf32>
    %mul3A = arith.constant 1 : i32
    %mul3A_7 = arith.muli %arg0, %mul3A : i32
    %add3A = arith.constant 0 : i32
    %add3A_8 = arith.addi %mul3A_7, %add3A : i32
    %get3A_9 = arith.index_cast %add3A_8 : i32 to index
    %get3A_10 = arith.constant 0 : index
    %get3A_11 = vector.load %arg3[%get3A_9, %get3A_10] : memref<8x768xf32, #tpu.memory_space<vmem>>, vector<1x768xf32>
    %broadcast_in_dim3A = vector.shape_cast %get3A_11 : vector<1x768xf32> to vector<1x768xf32>
    %broadcast_in_dim3A_12 = vector.broadcast %broadcast_in_dim3A : vector<1x768xf32> to vector<512x768xf32>
    %sub3A = arith.subf %broadcast_in_dim3A_12, %get3A_6 : vector<512x768xf32>
    %slice3A = vector.extract_strided_slice %get3A_1 {offsets = [0, 0], sizes = [1, 1], strides = [1, 1]} : vector<8x1xf32> to vector<1x1xf32>
    %mul3A_13 = vector.broadcast %slice3A : vector<1x1xf32> to vector<512x768xf32>
    %mul3A_14 = arith.mulf %mul3A_13, %sub3A : vector<512x768xf32>
    %add3A_15 = arith.addf %get3A_6, %mul3A_14 : vector<512x768xf32>
    %swap3A = arith.constant 0 : index
    %swap3A_16 = arith.constant 0 : index
    %swap3A_17 = arith.constant 0 : index
    %swap3A_18 = arith.constant 0 : index
    %swap3A_19 = vector.load %arg4[%swap3A, %swap3A_16, %swap3A_17, %swap3A_18] : memref<8x1x512x768xf32, #tpu.memory_space<vmem>>, vector<1x1x512x768xf32>
    %swap3A_20 = vector.shape_cast %swap3A_19 : vector<1x1x512x768xf32> to vector<512x768xf32>
    %swap3A_21 = vector.shape_cast %add3A_15 : vector<512x768xf32> to vector<1x1x512x768xf32>
    tpu.vector_store %arg4[%swap3A, %swap3A_16, %swap3A_17, %swap3A_18], %swap3A_21 {strides = array<i32>} : memref<8x1x512x768xf32, #tpu.memory_space<vmem>>, vector<1x1x512x768xf32>,
    %slice3A_22 = vector.extract_strided_slice %get3A_1 {offsets = [1, 0], sizes = [1, 1], strides = [1, 1]} : vector<8x1xf32> to vector<1x1xf32>
    %mul3A_23 = vector.broadcast %slice3A_22 : vector<1x1xf32> to vector<512x768xf32>
    %mul3A_24 = arith.mulf %mul3A_23, %sub3A : vector<512x768xf32>
    %add3A_25 = arith.addf %get3A_6, %mul3A_24 : vector<512x768xf32>
    %swap3A_26 = arith.constant 1 : index
    %swap3A_27 = arith.constant 0 : index
    %swap3A_28 = arith.constant 0 : index
    %swap3A_29 = arith.constant 0 : index
    %swap3A_30 = vector.load %arg4[%swap3A_26, %swap3A_27, %swap3A_28, %swap3A_29] : memref<8x1x512x768xf32, #tpu.memory_space<vmem>>, vector<1x1x512x768xf32>
    %swap3A_31 = vector.shape_cast %swap3A_30 : vector<1x1x512x768xf32> to vector<512x768xf32>
    %swap3A_32 = vector.shape_cast %add3A_25 : vector<512x768xf32> to vector<1x1x512x768xf32>
    tpu.vector_store %arg4[%swap3A_26, %swap3A_27, %swap3A_28, %swap3A_29], %swap3A_32 {strides = array<i32>} : memref<8x1x512x768xf32, #tpu.memory_space<vmem>>, vector<1x1x512x768xf32>,
    %slice3A_33 = vector.extract_strided_slice %get3A_1 {offsets = [2, 0], sizes = [1, 1], strides = [1, 1]} : vector<8x1xf32> to vector<1x1xf32>
    %mul3A_34 = vector.broadcast %slice3A_33 : vector<1x1xf32> to vector<512x768xf32>
    %mul3A_35 = arith.mulf %mul3A_34, %sub3A : vector<512x768xf32>
    %add3A_36 = arith.addf %get3A_6, %mul3A_35 : vector<512x768xf32>
    %swap3A_37 = arith.constant 2 : index
    %swap3A_38 = arith.constant 0 : index
    %swap3A_39 = arith.constant 0 : index
    %swap3A_40 = arith.constant 0 : index
    %swap3A_41 = vector.load %arg4[%swap3A_37, %swap3A_38, %swap3A_39, %swap3A_40] : memref<8x1x512x768xf32, #tpu.memory_space<vmem>>, vector<1x1x512x768xf32>
    %swap3A_42 = vector.shape_cast %swap3A_41 : vector<1x1x512x768xf32> to vector<512x768xf32>
    %swap3A_43 = vector.shape_cast %add3A_36 : vector<512x768xf32> to vector<1x1x512x768xf32>
    tpu.vector_store %arg4[%swap3A_37, %swap3A_38, %swap3A_39, %swap3A_40], %swap3A_43 {strides = array<i32>} : memref<8x1x512x768xf32, #tpu.memory_space<vmem>>, vector<1x1x512x768xf32>,
    %slice3A_44 = vector.extract_strided_slice %get3A_1 {offsets = [3, 0], sizes = [1, 1], strides = [1, 1]} : vector<8x1xf32> to vector<1x1xf32>
    %mul3A_45 = vector.broadcast %slice3A_44 : vector<1x1xf32> to vector<512x768xf32>
    %mul3A_46 = arith.mulf %mul3A_45, %sub3A : vector<512x768xf32>
    %add3A_47 = arith.addf %get3A_6, %mul3A_46 : vector<512x768xf32>
    %swap3A_48 = arith.constant 3 : index
    %swap3A_49 = arith.constant 0 : index
    %swap3A_50 = arith.constant 0 : index
    %swap3A_51 = arith.constant 0 : index
    %swap3A_52 = vector.load %arg4[%swap3A_48, %swap3A_49, %swap3A_50, %swap3A_51] : memref<8x1x512x768xf32, #tpu.memory_space<vmem>>, vector<1x1x512x768xf32>
    %swap3A_53 = vector.shape_cast %swap3A_52 : vector<1x1x512x768xf32> to vector<512x768xf32>
    %swap3A_54 = vector.shape_cast %add3A_47 : vector<512x768xf32> to vector<1x1x512x768xf32>
    tpu.vector_store %arg4[%swap3A_48, %swap3A_49, %swap3A_50, %swap3A_51], %swap3A_54 {strides = array<i32>} : memref<8x1x512x768xf32, #tpu.memory_space<vmem>>, vector<1x1x512x768xf32>,
    %slice3A_55 = vector.extract_strided_slice %get3A_1 {offsets = [4, 0], sizes = [1, 1], strides = [1, 1]} : vector<8x1xf32> to vector<1x1xf32>
    %mul3A_56 = vector.broadcast %slice3A_55 : vector<1x1xf32> to vector<512x768xf32>
    %mul3A_57 = arith.mulf %mul3A_56, %sub3A : vector<512x768xf32>
    %add3A_58 = arith.addf %get3A_6, %mul3A_57 : vector<512x768xf32>
    %swap3A_59 = arith.constant 4 : index
    %swap3A_60 = arith.constant 0 : index
    %swap3A_61 = arith.constant 0 : index
    %swap3A_62 = arith.constant 0 : index
    %swap3A_63 = vector.load %arg4[%swap3A_59, %swap3A_60, %swap3A_61, %swap3A_62] : memref<8x1x512x768xf32, #tpu.memory_space<vmem>>, vector<1x1x512x768xf32>
    %swap3A_64 = vector.shape_cast %swap3A_63 : vector<1x1x512x768xf32> to vector<512x768xf32>
    %swap3A_65 = vector.shape_cast %add3A_58 : vector<512x768xf32> to vector<1x1x512x768xf32>
    tpu.vector_store %arg4[%swap3A_59, %swap3A_60, %swap3A_61, %swap3A_62], %swap3A_65 {strides = array<i32>} : memref<8x1x512x768xf32, #tpu.memory_space<vmem>>, vector<1x1x512x768xf32>,
    %slice3A_66 = vector.extract_strided_slice %get3A_1 {offsets = [5, 0], sizes = [1, 1], strides = [1, 1]} : vector<8x1xf32> to vector<1x1xf32>
    %mul3A_67 = vector.broadcast %slice3A_66 : vector<1x1xf32> to vector<512x768xf32>
    %mul3A_68 = arith.mulf %mul3A_67, %sub3A : vector<512x768xf32>
    %add3A_69 = arith.addf %get3A_6, %mul3A_68 : vector<512x768xf32>
    %swap3A_70 = arith.constant 5 : index
    %swap3A_71 = arith.constant 0 : index
    %swap3A_72 = arith.constant 0 : index
    %swap3A_73 = arith.constant 0 : index
    %swap3A_74 = vector.load %arg4[%swap3A_70, %swap3A_71, %swap3A_72, %swap3A_73] : memref<8x1x512x768xf32, #tpu.memory_space<vmem>>, vector<1x1x512x768xf32>
    %swap3A_75 = vector.shape_cast %swap3A_74 : vector<1x1x512x768xf32> to vector<512x768xf32>
    %swap3A_76 = vector.shape_cast %add3A_69 : vector<512x768xf32> to vector<1x1x512x768xf32>
    tpu.vector_store %arg4[%swap3A_70, %swap3A_71, %swap3A_72, %swap3A_73], %swap3A_76 {strides = array<i32>} : memref<8x1x512x768xf32, #tpu.memory_space<vmem>>, vector<1x1x512x768xf32>,
    %slice3A_77 = vector.extract_strided_slice %get3A_1 {offsets = [6, 0], sizes = [1, 1], strides = [1, 1]} : vector<8x1xf32> to vector<1x1xf32>
    %mul3A_78 = vector.broadcast %slice3A_77 : vector<1x1xf32> to vector<512x768xf32>
    %mul3A_79 = arith.mulf %mul3A_78, %sub3A : vector<512x768xf32>
    %add3A_80 = arith.addf %get3A_6, %mul3A_79 : vector<512x768xf32>
    %swap3A_81 = arith.constant 6 : index
    %swap3A_82 = arith.constant 0 : index
    %swap3A_83 = arith.constant 0 : index
    %swap3A_84 = arith.constant 0 : index
    %swap3A_85 = vector.load %arg4[%swap3A_81, %swap3A_82, %swap3A_83, %swap3A_84] : memref<8x1x512x768xf32, #tpu.memory_space<vmem>>, vector<1x1x512x768xf32>
    %swap3A_86 = vector.shape_cast %swap3A_85 : vector<1x1x512x768xf32> to vector<512x768xf32>
    %swap3A_87 = vector.shape_cast %add3A_80 : vector<512x768xf32> to vector<1x1x512x768xf32>
    tpu.vector_store %arg4[%swap3A_81, %swap3A_82, %swap3A_83, %swap3A_84], %swap3A_87 {strides = array<i32>} : memref<8x1x512x768xf32, #tpu.memory_space<vmem>>, vector<1x1x512x768xf32>,
    %slice3A_88 = vector.extract_strided_slice %get3A_1 {offsets = [7, 0], sizes = [1, 1], strides = [1, 1]} : vector<8x1xf32> to vector<1x1xf32>
    %mul3A_89 = vector.broadcast %slice3A_88 : vector<1x1xf32> to vector<512x768xf32>
    %mul3A_90 = arith.mulf %mul3A_89, %sub3A : vector<512x768xf32>
    %add3A_91 = arith.addf %get3A_6, %mul3A_90 : vector<512x768xf32>
    %swap3A_92 = arith.constant 7 : index
    %swap3A_93 = arith.constant 0 : index
    %swap3A_94 = arith.constant 0 : index
    %swap3A_95 = arith.constant 0 : index
    %swap3A_96 = vector.load %arg4[%swap3A_92, %swap3A_93, %swap3A_94, %swap3A_95] : memref<8x1x512x768xf32, #tpu.memory_space<vmem>>, vector<1x1x512x768xf32>
    %swap3A_97 = vector.shape_cast %swap3A_96 : vector<1x1x512x768xf32> to vector<512x768xf32>
    %swap3A_98 = vector.shape_cast %add3A_91 : vector<512x768xf32> to vector<1x1x512x768xf32>
    tpu.vector_store %arg4[%swap3A_92, %swap3A_93, %swap3A_94, %swap3A_95], %swap3A_98 {strides = array<i32>} : memref<8x1x512x768xf32, #tpu.memory_space<vmem>>, vector<1x1x512x768xf32>,
    return
  }
  func.func @transform_0(%arg0: i32) -> (i32, i32) {
    %c0_i32 = arith.constant 0 : i32
    %c0_i32_0 = arith.constant 0 : i32
    %c0_i32_1 = arith.constant 0 : i32
    return %c0_i32, %c0_i32_0 : i32, i32
  }
  func.func @transform_1(%arg0: i32) -> (i32, i32, i32) {
    %c0_i32 = arith.constant 0 : i32
    %c0_i32_0 = arith.constant 0 : i32
    %c0_i32_1 = arith.constant 0 : i32
    return %arg0, %c0_i32, %c0_i32_0 : i32, i32, i32
  }
  func.func @transform_2(%arg0: i32) -> (i32, i32) {
    %c0_i32 = arith.constant 0 : i32
    %c0_i32_0 = arith.constant 0 : i32
    %c0_i32_1 = arith.constant 0 : i32
    return %c0_i32, %c0_i32_0 : i32, i32
  }
  func.func @transform_3(%arg0: i32) -> (i32, i32, i32, i32) {
    %c0_i32 = arith.constant 0 : i32
    %c0_i32_0 = arith.constant 0 : i32
    %c0_i32_1 = arith.constant 0 : i32
    %c0_i32_2 = arith.constant 0 : i32
    return %c0_i32, %arg0, %c0_i32_0, %c0_i32_1 : i32, i32, i32, i32
  }
}

module attributes {stable_mosaic.version = 14 : i64} {
  func.func @_scores_body(%arg0: i32, %arg1: memref<8x512x768xf32, #tpu.memory_space<vmem>>, %arg2: memref<768x192xf32, #tpu.memory_space<vmem>>, %arg3: memref<1x192xf32, #tpu.memory_space<vmem>>, %arg4: memref<1x192xf32, #tpu.memory_space<vmem>>, %arg5: memref<1x1xf32, #tpu.memory_space<vmem>>, %arg6: memref<4096x768xf32, #tpu.memory_space<vmem>>, %arg7: memref<8x128xf32, #tpu.memory_space<vmem>>, %arg8: memref<1x128xi32, #tpu.memory_space<vmem>>, %arg9: memref<8x768xf32, #tpu.memory_space<vmem>>, %arg10: memref<8x4096xf32, #tpu.memory_space<vmem>>, %arg11: memref<8x4096xi32, #tpu.memory_space<vmem>>) attributes {dimension_semantics = [#tpu.dimension_semantics<arbitrary>], iteration_bounds = array<i64: 16>, scalar_prefetch = 0 : i64, scratch_operands = 3 : i64, tpu.core_type = #tpu.core_type<tc>, window_params = [{pipeline_mode = #tpu.pipeline_mode<synchronous>, transform_indices = @transform_0, window_bounds = array<i64: 8, 512, 768>}, {pipeline_mode = #tpu.pipeline_mode<synchronous>, transform_indices = @transform_1, window_bounds = array<i64: 768, 192>}, {pipeline_mode = #tpu.pipeline_mode<synchronous>, transform_indices = @transform_2, window_bounds = array<i64: 1, 192>}, {pipeline_mode = #tpu.pipeline_mode<synchronous>, transform_indices = @transform_3, window_bounds = array<i64: 1, 192>}, {pipeline_mode = #tpu.pipeline_mode<synchronous>, transform_indices = @transform_4, window_bounds = array<i64: 1, 1>}, {transform_indices = @transform_5, window_bounds = array<i64: 4096, 768>}, {pipeline_mode = #tpu.pipeline_mode<synchronous>, transform_indices = @transform_6, window_bounds = array<i64: 8, 128>}, {pipeline_mode = #tpu.pipeline_mode<synchronous>, transform_indices = @transform_7, window_bounds = array<i64: 1, 128>}]} {
    %eq3A = arith.constant 0 : i32
    %eq3A_0 = arith.cmpi eq, %arg0, %eq3A : i32
    %convert_element_type3A = arith.extui %eq3A_0 : i1 to i32
    %cond3A = arith.constant 0 : i32
    %cond3A_1 = arith.cmpi ne, %convert_element_type3A, %cond3A : i32
    scf.if %cond3A_1 {
      %get3A_25 = arith.constant 0 : index
      %get3A_26 = arith.constant 0 : index
      %get3A_27 = arith.constant 0 : index
      %get3A_28 = vector.load %arg1[%get3A_25, %get3A_26, %get3A_27] : memref<8x512x768xf32, #tpu.memory_space<vmem>>, vector<8x512x768xf32>
      %reduce_sum3A = arith.constant dense<0.000000e+00> : vector<8x768xf32>
      %reduce_sum3A_29 = vector.multi_reduction <add>, %get3A_28, %reduce_sum3A [1] : vector<8x512x768xf32> to vector<8x768xf32>
      %mul3A_30 = arith.constant 0.001953125 : f32
      %mul3A_31 = vector.broadcast %mul3A_30 : f32 to vector<8x768xf32>
      %mul3A_32 = arith.mulf %reduce_sum3A_29, %mul3A_31 : vector<8x768xf32>
      %mul3A_33 = arith.constant -2.000000e+00 : f32
      %mul3A_34 = vector.broadcast %mul3A_33 : f32 to vector<8x768xf32>
      %mul3A_35 = arith.mulf %mul3A_32, %mul3A_34 : vector<8x768xf32>
      %swap3A = arith.constant 0 : index
      %swap3A_36 = arith.constant 0 : index
      %swap3A_37 = vector.load %arg9[%swap3A, %swap3A_36] : memref<8x768xf32, #tpu.memory_space<vmem>>, vector<8x768xf32>
      tpu.vector_store %arg9[%swap3A, %swap3A_36], %mul3A_35 {strides = array<i32>} : memref<8x768xf32, #tpu.memory_space<vmem>>, vector<8x768xf32>,
      %get3A_38 = arith.constant 0 : index
      %get3A_39 = arith.constant 0 : index
      %get3A_40 = vector.load %arg2[%get3A_38, %get3A_39] : memref<768x192xf32, #tpu.memory_space<vmem>>, vector<768x192xf32>
      %dot_general3A_41 = arith.constant dense<0.000000e+00> : vector<8x192xf32>
      %dot_general3A_42 = tpu.matmul %mul3A_32, %get3A_40, %dot_general3A_41 {dimension_numbers = #tpu.dot_dimension_numbers<[1], [0], [0], [1], [0, 0, 1, 1], [], []>, transpose_lhs_hint = false} : vector<8x768xf32>, vector<768x192xf32>, vector<8x192xf32> -> vector<8x192xf32>
      %get3A_43 = arith.constant 0 : index
      %get3A_44 = arith.constant 0 : index
      %get3A_45 = vector.load %arg3[%get3A_43, %get3A_44] : memref<1x192xf32, #tpu.memory_space<vmem>>, vector<1x192xf32>
      %add3A_46 = vector.broadcast %get3A_45 : vector<1x192xf32> to vector<8x192xf32>
      %add3A_47 = arith.addf %dot_general3A_42, %add3A_46 : vector<8x192xf32>
      %max3A = arith.constant 0.000000e+00 : f32
      %max3A_48 = vector.broadcast %max3A : f32 to vector<8x192xf32>
      %max3A_49 = arith.maximumf %add3A_47, %max3A_48 : vector<8x192xf32>
      %get3A_50 = arith.constant 0 : index
      %get3A_51 = arith.constant 0 : index
      %get3A_52 = vector.load %arg4[%get3A_50, %get3A_51] : memref<1x192xf32, #tpu.memory_space<vmem>>, vector<1x192xf32>
      %mul3A_53 = vector.broadcast %get3A_52 : vector<1x192xf32> to vector<8x192xf32>
      %mul3A_54 = arith.mulf %max3A_49, %mul3A_53 : vector<8x192xf32>
      %reduce_sum3A_55 = arith.constant dense<0.000000e+00> : vector<8xf32>
      %reduce_sum3A_56 = vector.multi_reduction <add>, %mul3A_54, %reduce_sum3A_55 [1] : vector<8x192xf32> to vector<8xf32>
      %broadcast_in_dim3A_57 = vector.shape_cast %reduce_sum3A_56 : vector<8xf32> to vector<8x1xf32>
      %get3A_58 = arith.constant 0 : index
      %get3A_59 = arith.constant 0 : index
      %get3A_60 = vector.load %arg5[%get3A_58, %get3A_59] : memref<1x1xf32, #tpu.memory_space<vmem>>, vector<1x1xf32>
      %add3A_61 = vector.broadcast %get3A_60 : vector<1x1xf32> to vector<8x1xf32>
      %add3A_62 = arith.addf %broadcast_in_dim3A_57, %add3A_61 : vector<8x1xf32>
      %logistic3A = arith.negf %add3A_62 : vector<8x1xf32>
      %logistic3A_63 = math.exp %logistic3A : vector<8x1xf32>
      %logistic3A_64 = arith.constant 1.000000e+00 : f32
      %logistic3A_65 = vector.broadcast %logistic3A_64 : f32 to vector<8x1xf32>
      %logistic3A_66 = arith.addf %logistic3A_65, %logistic3A_63 : vector<8x1xf32>
      %logistic3A_67 = arith.divf %logistic3A_65, %logistic3A_66 : vector<8x1xf32>
      %broadcast_in_dim3A_68 = vector.shape_cast %logistic3A_67 : vector<8x1xf32> to vector<8x1xf32>
      %broadcast_in_dim3A_69 = vector.broadcast %broadcast_in_dim3A_68 : vector<8x1xf32> to vector<8x128xf32>
      %swap3A_70 = arith.constant 0 : index
      %swap3A_71 = arith.constant 0 : index
      %swap3A_72 = vector.load %arg7[%swap3A_70, %swap3A_71] : memref<8x128xf32, #tpu.memory_space<vmem>>, vector<8x128xf32>
      tpu.vector_store %arg7[%swap3A_70, %swap3A_71], %broadcast_in_dim3A_69 {strides = array<i32>} : memref<8x128xf32, #tpu.memory_space<vmem>>, vector<8x128xf32>,
    } else {
    }
    %get3A = arith.constant 0 : index
    %get3A_2 = arith.constant 0 : index
    %get3A_3 = vector.load %arg6[%get3A, %get3A_2] : memref<4096x768xf32, #tpu.memory_space<vmem>>, vector<4096x768xf32>
    %get3A_4 = arith.constant 0 : index
    %get3A_5 = arith.constant 0 : index
    %get3A_6 = vector.load %arg9[%get3A_4, %get3A_5] : memref<8x768xf32, #tpu.memory_space<vmem>>, vector<8x768xf32>
    %dot_general3A = arith.constant dense<0.000000e+00> : vector<8x4096xf32>
    %dot_general3A_7 = tpu.matmul %get3A_6, %get3A_3, %dot_general3A {dimension_numbers = #tpu.dot_dimension_numbers<[1], [1], [0], [0], [0, 0, 1, 0], [], []>, transpose_lhs_hint = false} : vector<8x768xf32>, vector<4096x768xf32>, vector<8x4096xf32> -> vector<8x4096xf32>
    %mul3A = arith.mulf %get3A_3, %get3A_3 : vector<4096x768xf32>
    %broadcast_in_dim3A = arith.constant 1.000000e+00 : f32
    %broadcast_in_dim3A_8 = vector.broadcast %broadcast_in_dim3A : f32 to vector<8x768xf32>
    %dot_general3A_9 = arith.constant dense<0.000000e+00> : vector<8x4096xf32>
    %dot_general3A_10 = tpu.matmul %broadcast_in_dim3A_8, %mul3A, %dot_general3A_9 {dimension_numbers = #tpu.dot_dimension_numbers<[1], [1], [0], [0], [0, 0, 1, 0], [], []>, transpose_lhs_hint = false} : vector<8x768xf32>, vector<4096x768xf32>, vector<8x4096xf32> -> vector<8x4096xf32>
    %add3A = arith.addf %dot_general3A_10, %dot_general3A_7 : vector<8x4096xf32>
    %eq3A_11 = arith.constant 0 : i32
    %eq3A_12 = arith.cmpi eq, %arg0, %eq3A_11 : i32
    %convert_element_type3A_13 = arith.extui %eq3A_12 : i1 to i32
    %cond3A_14 = arith.constant 0 : i32
    %cond3A_15 = arith.cmpi ne, %convert_element_type3A_13, %cond3A_14 : i32
    scf.if %cond3A_15 {
      %swap3A = arith.constant 0 : index
      %swap3A_25 = arith.constant 0 : index
      %swap3A_26 = vector.load %arg10[%swap3A, %swap3A_25] : memref<8x4096xf32, #tpu.memory_space<vmem>>, vector<8x4096xf32>
      tpu.vector_store %arg10[%swap3A, %swap3A_25], %add3A {strides = array<i32>} : memref<8x4096xf32, #tpu.memory_space<vmem>>, vector<8x4096xf32>,
      %broadcast_in_dim3A_27 = arith.constant 0 : i32
      %broadcast_in_dim3A_28 = vector.broadcast %broadcast_in_dim3A_27 : i32 to vector<8x4096xi32>
      %swap3A_29 = arith.constant 0 : index
      %swap3A_30 = arith.constant 0 : index
      %swap3A_31 = vector.load %arg11[%swap3A_29, %swap3A_30] : memref<8x4096xi32, #tpu.memory_space<vmem>>, vector<8x4096xi32>
      tpu.vector_store %arg11[%swap3A_29, %swap3A_30], %broadcast_in_dim3A_28 {strides = array<i32>} : memref<8x4096xi32, #tpu.memory_space<vmem>>, vector<8x4096xi32>,
    } else {
    }
    %gt3A = arith.constant 0 : i32
    %gt3A_16 = arith.cmpi sgt, %arg0, %gt3A : i32
    %convert_element_type3A_17 = arith.extui %gt3A_16 : i1 to i32
    %cond3A_18 = arith.constant 0 : i32
    %cond3A_19 = arith.cmpi ne, %convert_element_type3A_17, %cond3A_18 : i32
    scf.if %cond3A_19 {
      %get3A_25 = arith.constant 0 : index
      %get3A_26 = arith.constant 0 : index
      %get3A_27 = vector.load %arg10[%get3A_25, %get3A_26] : memref<8x4096xf32, #tpu.memory_space<vmem>>, vector<8x4096xf32>
      %lt3A = arith.cmpf olt, %add3A, %get3A_27 : vector<8x4096xf32>
      %get3A_28 = arith.constant 0 : index
      %get3A_29 = arith.constant 0 : index
      %get3A_30 = vector.load %arg11[%get3A_28, %get3A_29] : memref<8x4096xi32, #tpu.memory_space<vmem>>, vector<8x4096xi32>
      %broadcast_in_dim3A_31 = vector.broadcast %arg0 : i32 to vector<8x4096xi32>
      %select_n3A = arith.select %lt3A, %broadcast_in_dim3A_31, %get3A_30 : vector<8x4096xi1>, vector<8x4096xi32>
      %swap3A = arith.constant 0 : index
      %swap3A_32 = arith.constant 0 : index
      %swap3A_33 = vector.load %arg11[%swap3A, %swap3A_32] : memref<8x4096xi32, #tpu.memory_space<vmem>>, vector<8x4096xi32>
      tpu.vector_store %arg11[%swap3A, %swap3A_32], %select_n3A {strides = array<i32>} : memref<8x4096xi32, #tpu.memory_space<vmem>>, vector<8x4096xi32>,
      %select_n3A_34 = arith.select %lt3A, %add3A, %get3A_27 : vector<8x4096xi1>, vector<8x4096xf32>
      %swap3A_35 = arith.constant 0 : index
      %swap3A_36 = arith.constant 0 : index
      %swap3A_37 = vector.load %arg10[%swap3A_35, %swap3A_36] : memref<8x4096xf32, #tpu.memory_space<vmem>>, vector<8x4096xf32>
      tpu.vector_store %arg10[%swap3A_35, %swap3A_36], %select_n3A_34 {strides = array<i32>} : memref<8x4096xf32, #tpu.memory_space<vmem>>, vector<8x4096xf32>,
    } else {
    }
    %eq3A_20 = arith.constant 15 : i32
    %eq3A_21 = arith.cmpi eq, %arg0, %eq3A_20 : i32
    %convert_element_type3A_22 = arith.extui %eq3A_21 : i1 to i32
    %cond3A_23 = arith.constant 0 : i32
    %cond3A_24 = arith.cmpi ne, %convert_element_type3A_22, %cond3A_23 : i32
    scf.if %cond3A_24 {
      %get3A_25 = arith.constant 0 : index
      %get3A_26 = arith.constant 0 : index
      %get3A_27 = vector.load %arg10[%get3A_25, %get3A_26] : memref<8x4096xf32, #tpu.memory_space<vmem>>, vector<8x4096xf32>
      %get3A_28 = arith.constant 0 : index
      %get3A_29 = arith.constant 0 : index
      %get3A_30 = vector.load %arg11[%get3A_28, %get3A_29] : memref<8x4096xi32, #tpu.memory_space<vmem>>, vector<8x4096xi32>
      %mul3A_31 = arith.constant 4096 : i32
      %mul3A_32 = vector.broadcast %mul3A_31 : i32 to vector<8x4096xi32>
      %mul3A_33 = arith.muli %get3A_30, %mul3A_32 : vector<8x4096xi32>
      %iota3A = tpu.iota {dimensions = array<i32: 1>} : vector<8x4096xi32>
      %add3A_34 = arith.addi %mul3A_33, %iota3A : vector<8x4096xi32>
      %reduce_min3A = arith.constant dense<0x7F800000> : vector<8xf32>
      %reduce_min3A_35 = vector.multi_reduction <minimumf>, %get3A_27, %reduce_min3A [1] : vector<8x4096xf32> to vector<8xf32>
      %broadcast_in_dim3A_36 = vector.shape_cast %reduce_min3A_35 : vector<8xf32> to vector<8x1xf32>
      %eq3A_37 = vector.broadcast %broadcast_in_dim3A_36 : vector<8x1xf32> to vector<8x4096xf32>
      %eq3A_38 = arith.cmpf oeq, %get3A_27, %eq3A_37 : vector<8x4096xf32>
      %jit3A = arith.constant 2147483647 : i32
      %broadcast_in_dim3A_39 = vector.broadcast %jit3A : i32 to vector<8x4096xi32>
      %select_n3A = arith.select %eq3A_38, %add3A_34, %broadcast_in_dim3A_39 : vector<8x4096xi1>, vector<8x4096xi32>
      %reduce_min3A_40 = arith.constant dense<2147483647> : vector<8xi32>
      %reduce_min3A_41 = vector.multi_reduction <minsi>, %select_n3A, %reduce_min3A_40 [1] : vector<8x4096xi32> to vector<8xi32>
      %broadcast_in_dim3A_42 = vector.shape_cast %reduce_min3A_41 : vector<8xi32> to vector<1x8xi32>
      %broadcast_in_dim3A_43 = arith.constant 0 : i32
      %broadcast_in_dim3A_44 = vector.broadcast %broadcast_in_dim3A_43 : i32 to vector<1x120xi32>
      %concatenate3A = tpu.concatenate %broadcast_in_dim3A_42, %broadcast_in_dim3A_44 in 1 : vector<1x8xi32>, vector<1x120xi32> -> vector<1x128xi32>
      %swap3A = arith.constant 0 : index
      %swap3A_45 = arith.constant 0 : index
      %swap3A_46 = vector.load %arg8[%swap3A, %swap3A_45] : memref<1x128xi32, #tpu.memory_space<vmem>>, vector<1x128xi32>
      tpu.vector_store %arg8[%swap3A, %swap3A_45], %concatenate3A {strides = array<i32>} : memref<1x128xi32, #tpu.memory_space<vmem>>, vector<1x128xi32>,
    } else {
    }
    return
  }
  func.func @transform_0(%arg0: i32) -> (i32, i32, i32) {
    %c0_i32 = arith.constant 0 : i32
    %c0_i32_0 = arith.constant 0 : i32
    %c0_i32_1 = arith.constant 0 : i32
    %c0_i32_2 = arith.constant 0 : i32
    return %c0_i32, %c0_i32_0, %c0_i32_1 : i32, i32, i32
  }
  func.func @transform_1(%arg0: i32) -> (i32, i32) {
    %c0_i32 = arith.constant 0 : i32
    %c0_i32_0 = arith.constant 0 : i32
    %c0_i32_1 = arith.constant 0 : i32
    return %c0_i32, %c0_i32_0 : i32, i32
  }
  func.func @transform_2(%arg0: i32) -> (i32, i32) {
    %c0_i32 = arith.constant 0 : i32
    %c0_i32_0 = arith.constant 0 : i32
    %c0_i32_1 = arith.constant 0 : i32
    return %c0_i32, %c0_i32_0 : i32, i32
  }
  func.func @transform_3(%arg0: i32) -> (i32, i32) {
    %c0_i32 = arith.constant 0 : i32
    %c0_i32_0 = arith.constant 0 : i32
    %c0_i32_1 = arith.constant 0 : i32
    return %c0_i32, %c0_i32_0 : i32, i32
  }
  func.func @transform_4(%arg0: i32) -> (i32, i32) {
    %c0_i32 = arith.constant 0 : i32
    %c0_i32_0 = arith.constant 0 : i32
    %c0_i32_1 = arith.constant 0 : i32
    return %c0_i32, %c0_i32_0 : i32, i32
  }
  func.func @transform_5(%arg0: i32) -> (i32, i32) {
    %c0_i32 = arith.constant 0 : i32
    %c0_i32_0 = arith.constant 0 : i32
    return %arg0, %c0_i32 : i32, i32
  }
  func.func @transform_6(%arg0: i32) -> (i32, i32) {
    %c0_i32 = arith.constant 0 : i32
    %c0_i32_0 = arith.constant 0 : i32
    %c0_i32_1 = arith.constant 0 : i32
    return %c0_i32, %c0_i32_0 : i32, i32
  }
  func.func @transform_7(%arg0: i32) -> (i32, i32) {
    %c0_i32 = arith.constant 0 : i32
    %c0_i32_0 = arith.constant 0 : i32
    %c0_i32_1 = arith.constant 0 : i32
    return %c0_i32, %c0_i32_0 : i32, i32
  }
}

</mosaic_0001>

<sc_bundles>
// kernel: kernel.5.cloned.1.call-start
scs
__scs_entry_jumppad:
0x0: {  	(pc) =	sbr.rel $0x88, $3  }
0x1: {  	(tag) =	ssettag $0x0;
	lr =	simm.s32 $0x1  }
0x2: {  	[smem:$0x3F9B] =	sst lr;
	_ =	strace $0xD0000000  }
0x3: {  	_ = 	snop  }
0x4: {  	_ = 	snop  }
0x5: {  	_ = 	snop  }
0x6: {  	_ = 	snop  }
0x7: {  	_ = 	snop  }
__scs_overlays_trampoline_lowered:
0x8: {  	[smem:$0x3FAA] =	sst s0  }
0x9: {  	[smem:$0x3FAB] =	sst s1  }
0xa: {  	[smem:$0x3FAC] =	sst s2  }
0xb: {  	[smem:$0x3FAD] =	sst s3  }
0xc: {  	[smem:$0x3FAE] =	sst s4  }
0xd: {  	[smem:$0x3FAF] =	sst s5  }
0xe: {  	[smem:$0x3FB0] =	sst s6  }
0xf: {  	[smem:$0x3FB1] =	sst s7  }
0x10: {  	[smem:$0x3FB2] =	sst s8  }
0x11: {  	[smem:$0x3FB3] =	sst s9;
	s0 =	simm.s32 @!p0 $0x0  }
0x12: {  	s1 =	sld [smem:$0x3F99];
	s0 =	simm.s32 @p0 $0x1  }
0x13: {  	[smem:$0x3FB4] =	sst s0;
	s0 =	simm.s32 @!p1 $0x0  }
0x14: {  	s2 =	sld [smem:$0x3F98];
	s0 =	simm.s32 @p1 $0x1  }
0x15: {  	[smem:$0x3FB5] =	sst s0;
	s0 =	simm.s32 @!p2 $0x0  }
0x16: {  	s3 =	sld [smem:$0x3FDB];
	s0 =	simm.s32 @p2 $0x1  }
0x17: {  	s4 =	simm.s32 $0x1BF5;
	[smem:$0x3FB7] =	sst s0  }
0x18: {  	s0 =	sld [smem:$0x3F9A];
	_ =	swait.ge [sflag:s4], $0x0  }
0x19: {  	s7 =	sld [smem:$0x3F9B]  }
0x1a: {  	s8 =	sadd.s32 $0xFFFFE003, lr  }
0x1b: {  	s9 =	sadd.s32 $0xFFFFFEF7, lr;
	s5 =	simm.s32 $0xFFFFFFFF;
	p2 =	slt.u32 s8, $0xFFFFF086  }
0x1c: {  	p1 =	slt.u32 s9, $0xF7A;
	s5 =	simm.s32 @!p2 $0x0  }
0x1d: {  	s5 =	simm.s32 @p1 $0x1;
	p0 =	seq.s32 s7, s2  }
0x1e: {  	s7 =	smul.u32 @!p0 $0xF7A, s2;
	p2 =	seq.s32 @!p0 s5, $0x0  }
0x1f: {  	s9 =	smul.u32 $0xF7A, s1;
	s8 =	simm.s32 @!p0 $0x1BF5;
	p2 =	por !p2, p0  }
0x20: {  	[sflag:s8] =	ssyncset.s32 @!p0 $0xFFFFF086;
	s6 =	sadd.s32 @!p0 s3, s7;
	s7 =	simm.s32 @!p0 $0x108  }
0x21: {  	s3 =	sadd.s32 s3, s9;
	s6 =	sadd.s32 @!p0 $0x88, s6;
	s7 =	simm.s32 @p2 $0x1082  }
0x22: {  	[simem:s7], [sflag:s8] =	dma.local @!p0 [hbm:s6], $0xF7A  }
0x23: {  	s9 =	sor.u32 $0xD0000000, s2;
	s6 =	simm.s32 $0x108;
	_ =	swait.ge @!p0 [sflag:s8], $0x0  }
0x24: {  	s3 =	sadd.s32 $0x88, s3;
	s6 =	simm.s32 @!p1 $0x1082;
	[sflag:s4] =	ssyncset.s32 $0xFFFFF086  }
0x25: {  	[simem:s6], [sflag:s4] =	dma.local [hbm:s3], $0xF7A  }
0x26: {  	[smem:$0x3F9B] =	sst s1;
	(tag) =	ssettag s2;
	_ =	strace s9  }
0x27: {  	s1 =	sld [smem:$0x3FAB]  }
0x28: {  	s2 =	sld [smem:$0x3FAC]  }
0x29: {  	s4 =	sld [smem:$0x3FAE]  }
0x2a: {  	p0 =	seq.s32 s5, $0x0;
	s5 =	sld [smem:$0x3FAF]  }
0x2b: {  	s6 =	sld [smem:$0x3FB0]  }
0x2c: {  	s7 =	sld [smem:$0x3FB1]  }
0x2d: {  	s3 =	simm.s32 $0x108;
	s8 =	sld [smem:$0x3FB2]  }
0x2e: {  	s3 =	simm.s32 @!p0 $0x1082;
	s9 =	sld [smem:$0x3FB3]  }
0x2f: {  	lr =	sadd.s32 s0, s3;
	s0 =	sld [smem:$0x3FAA]  }
0x30: {  	s3 =	sld [smem:$0x3FAD]  }
0x31: {  	[smem:$0x3FB6] =	sst s10  }
0x32: {  	s10 =	sld [smem:$0x3FB4];
	_ =	sdelay $0x3  }
0x33: {  	p0 =	seq.s32 s10, $0x1;
	s10 =	sld [smem:$0x3FB6];
	_ =	sdelay $0x3  }
0x34: {  	[smem:$0x3FB6] =	sst s10  }
0x35: {  	s10 =	sld [smem:$0x3FB5];
	_ =	sdelay $0x3  }
0x36: {  	p1 =	seq.s32 s10, $0x1;
	s10 =	sld [smem:$0x3FB6];
	_ =	sdelay $0x3  }
0x37: {  	[smem:$0x3FB6] =	sst s10  }
0x38: {  	s10 =	sld [smem:$0x3FB7]  }
0x39: {  	_ = 	snop;
	(pc) =	sbr.ind lr, $3  }
0x3a: {  	_ = 	snop  }
0x3b: {  	_ = 	snop  }
0x3c: {  	p2 =	seq.s32 s10, $0x1;
	s10 =	sld [smem:$0x3FB6]  }
0x3d: {  	_ =	shalt  }
0x3e: {  	_ =	shalt  }
0x3f: {  	_ =	shalt  }
0x40: {  	_ =	shalt  }
0x41: {  	_ =	shalt  }
0x42: {  	_ =	shalt  }
0x43: {  	_ =	shalt  }
0x44: {  	_ =	shalt  }
0x45: {  	_ =	shalt  }
0x46: {  	_ =	shalt  }
0x47: {  	_ =	shalt  }
0x48: {  	_ =	shalt  }
0x49: {  	_ =	shalt  }
0x4a: {  	_ =	shalt  }
0x4b: {  	_ =	shalt  }
0x4c: {  	_ =	shalt  }
0x4d: {  	_ =	shalt  }
0x4e: {  	_ =	shalt  }
0x4f: {  	_ =	shalt  }
0x50: {  	_ =	shalt  }
0x51: {  	_ =	shalt  }
0x52: {  	_ =	shalt  }
0x53: {  	_ =	shalt  }
0x54: {  	_ =	shalt  }
0x55: {  	_ =	shalt  }
0x56: {  	_ =	shalt  }
0x57: {  	_ =	shalt  }
0x58: {  	_ =	shalt  }
0x59: {  	_ =	shalt  }
0x5a: {  	_ =	shalt  }
0x5b: {  	_ =	shalt  }
0x5c: {  	_ =	shalt  }
0x5d: {  	_ =	shalt  }
0x5e: {  	_ =	shalt  }
0x5f: {  	_ =	shalt  }
0x60: {  	_ =	shalt  }
0x61: {  	_ =	shalt  }
0x62: {  	_ =	shalt  }
0x63: {  	_ =	shalt  }
0x64: {  	_ =	shalt  }
0x65: {  	_ =	shalt  }
0x66: {  	_ =	shalt  }
0x67: {  	_ =	shalt  }
0x68: {  	_ =	shalt  }
0x69: {  	_ =	shalt  }
0x6a: {  	_ =	shalt  }
0x6b: {  	_ =	shalt  }
0x6c: {  	_ =	shalt  }
0x6d: {  	_ =	shalt  }
0x6e: {  	_ =	shalt  }
0x6f: {  	_ =	shalt  }
0x70: {  	_ =	shalt  }
0x71: {  	_ =	shalt  }
0x72: {  	_ =	shalt  }
0x73: {  	_ =	shalt  }
0x74: {  	_ =	shalt  }
0x75: {  	_ =	shalt  }
0x76: {  	_ =	shalt  }
0x77: {  	_ =	shalt  }
0x78: {  	_ =	shalt  }
0x79: {  	_ =	shalt  }
0x7a: {  	_ =	shalt  }
0x7b: {  	_ =	shalt  }
0x7c: {  	_ =	shalt  }
0x7d: {  	_ =	shalt  }
0x7e: {  	_ =	shalt  }
0x7f: {  	_ =	shalt  }
0x80: {  	_ =	shalt  }
0x81: {  	_ =	shalt  }
0x82: {  	_ =	shalt  }
0x83: {  	_ =	shalt  }
0x84: {  	_ =	shalt  }
0x85: {  	_ =	shalt  }
0x86: {  	_ =	shalt  }
0x87: {  	_ =	shalt  }
.Lfunc_end0:
.L_simem_size_0:
called_computation_lowered:
.L_overlay_start_0:
0x88: {  	s0 =	sld [smem:$0x3FD9]  }
0x89: {  	s1 =	sld [smem:$0x3FFE];
	_ =	sdelay $0x3  }
0x8a: {  	s0 =	sadd.s32 s1, s0  }
0x8b: {  	s2 =	simm.s32 $0x0;
	[smem:$0x3FC2] =	sst s0  }
0x8c: {  	[smem:$0xF] =	sst s2  }
0x8d: {  	s0 =	sld [smem:$0x3FC8]  }
0x8e: {  	s31 =	sld [smem:$0x3FD0];
	(tm) =	ssettm $0x1  }
0x8f: {  	s5 =	sld [smem:$0x3FFB];
	_ =	sdelay $0x3  }
0x90: {  	_ =	strace s5  }
0x91: {  	s2 =	sld [smem:$0x3FFC];
	_ =	sdelay $0x3  }
0x92: {  	_ =	strace s2  }
0x93: {  	s2 =	sld [smem:$0x3FFD];
	_ =	sdelay $0x3  }
0x94: {  	_ =	strace s2  }
0x95: {  	s6 =	simm.s32 $0x1B8B;
	_ =	strace $0x8FFFFFFF  }
0x96: {  	_ =	swait.ge [sflag:s6], $0x1  }
0x97: {  	s3 =	sld [smem:$0x3FFE]  }
0x98: {  	[sflag:s6] =	ssyncset.done $0x0  }
0x99: {  	s7 =	simm.s32 $0x1B8E;
	[sflag:s6] =	ssyncadd.s32 $0xFFFFFFFF  }
0x9a: {  	s9 =	simm.s32 $0xA;
	[smem:$0x3FD2] =	sst s7  }
0x9b: {  	s4 =	simm.s32 $0x10;
	_ =	strace $0x80000046;
	s8 =	sadd.s32 $0x1200, s3  }
0x9c: {  	[smem:s4], [sflag:s9] =	dma.local [hbm:s8], $0x10  }
0x9d: {  	_ =	swait.ge [sflag:s9], $0x10  }
0x9e: {  	[sflag:s9] =	ssyncset.done $0x0  }
0x9f: {  	[sflag:s9] =	ssyncadd.s32 $0xFFFFFFF0  }
0xa0: {  	s10 =	sld [smem:$0x10];
	_ =	sdelay $0x3  }
0xa1: {  	s11 =	sshrl.u32 s10, $0x3  }
0xa2: {  	s2 =	sshll.u32 s10, $0x7;
	s3 =	smul.u32 $0x1800, s11  }
0xa3: {  	s2 =	sand.u32 $0x380, s2  }
0xa4: {  	s2 =	sor.u32 s2, s3  }
0xa5: {  	s12 =	simm.s32 $0x1;
	s2 =	sshrl.u32 s2, $0x3  }
0xa6: {  	s13 =	simm.s32 $0x80;
	s14 =	simm.s32 $0x9;
	s5 =	sadd.s32 s0, s2  }
0xa7: {  	[hbm:s31@s13], [sflag:s14] =	dma.strided [hbm:s5@s13], $0x60, s12, $0x10   }
0xa8: {  	s5 =	sld [smem:$0x11];
	_ =	sdelay $0x3  }
0xa9: {  	s6 =	sshrl.u32 s5, $0x3  }
0xaa: {  	s5 =	sshll.u32 s5, $0x7;
	s6 =	smul.u32 $0x1800, s6  }
0xab: {  	s5 =	sand.u32 $0x380, s5  }
0xac: {  	s5 =	sor.u32 s5, s6  }
0xad: {  	s5 =	sshrl.u32 s5, $0x3  }
0xae: {  	s15 =	sadd.s32 $0x10, s31;
	s5 =	sadd.s32 s0, s5  }
0xaf: {  	[hbm:s15@s13], [sflag:s14] =	dma.strided [hbm:s5@s13], $0x60, s12, $0x10   }
0xb0: {  	s5 =	sld [smem:$0x12];
	_ =	sdelay $0x3  }
0xb1: {  	s16 =	sshrl.u32 s5, $0x3  }
0xb2: {  	s5 =	sshll.u32 s5, $0x7;
	s6 =	smul.u32 $0x1800, s16  }
0xb3: {  	s5 =	sand.u32 $0x380, s5  }
0xb4: {  	s5 =	sor.u32 s5, s6  }
0xb5: {  	s5 =	sshrl.u32 s5, $0x3  }
0xb6: {  	s17 =	sadd.s32 $0x20, s31;
	s5 =	sadd.s32 s0, s5  }
0xb7: {  	[hbm:s17@s13], [sflag:s14] =	dma.strided [hbm:s5@s13], $0x60, s12, $0x10   }
0xb8: {  	s5 =	sld [smem:$0x13];
	_ =	sdelay $0x3  }
0xb9: {  	s18 =	sshrl.u32 s5, $0x3  }
0xba: {  	s5 =	sshll.u32 s5, $0x7;
	s6 =	smul.u32 $0x1800, s18  }
0xbb: {  	s5 =	sand.u32 $0x380, s5  }
0xbc: {  	s5 =	sor.u32 s5, s6  }
0xbd: {  	s5 =	sshrl.u32 s5, $0x3  }
0xbe: {  	s19 =	sadd.s32 $0x30, s31;
	s5 =	sadd.s32 s0, s5  }
0xbf: {  	[hbm:s19@s13], [sflag:s14] =	dma.strided [hbm:s5@s13], $0x60, s12, $0x10   }
0xc0: {  	s5 =	sld [smem:$0x14];
	_ =	sdelay $0x3  }
0xc1: {  	s20 =	sshrl.u32 s5, $0x3  }
0xc2: {  	s5 =	sshll.u32 s5, $0x7;
	s6 =	smul.u32 $0x1800, s20  }
0xc3: {  	s5 =	sand.u32 $0x380, s5  }
0xc4: {  	s5 =	sor.u32 s5, s6  }
0xc5: {  	s5 =	sshrl.u32 s5, $0x3  }
0xc6: {  	s21 =	sadd.s32 $0x40, s31;
	s5 =	sadd.s32 s0, s5  }
0xc7: {  	[hbm:s21@s13], [sflag:s14] =	dma.strided [hbm:s5@s13], $0x60, s12, $0x10   }
0xc8: {  	s5 =	sld [smem:$0x15];
	_ =	sdelay $0x3  }
0xc9: {  	s22 =	sshrl.u32 s5, $0x3  }
0xca: {  	s5 =	sshll.u32 s5, $0x7;
	s6 =	smul.u32 $0x1800, s22  }
0xcb: {  	s5 =	sand.u32 $0x380, s5  }
0xcc: {  	s5 =	sor.u32 s5, s6  }
0xcd: {  	s5 =	sshrl.u32 s5, $0x3  }
0xce: {  	s23 =	sadd.s32 $0x50, s31;
	s5 =	sadd.s32 s0, s5  }
0xcf: {  	[hbm:s23@s13], [sflag:s14] =	dma.strided [hbm:s5@s13], $0x60, s12, $0x10   }
0xd0: {  	s5 =	sld [smem:$0x16];
	_ =	sdelay $0x3  }
0xd1: {  	s24 =	sshrl.u32 s5, $0x3  }
0xd2: {  	s5 =	sshll.u32 s5, $0x7;
	s6 =	smul.u32 $0x1800, s24  }
0xd3: {  	s5 =	sand.u32 $0x380, s5  }
0xd4: {  	s5 =	sor.u32 s5, s6  }
0xd5: {  	s5 =	sshrl.u32 s5, $0x3  }
0xd6: {  	s25 =	sadd.s32 $0x60, s31;
	s5 =	sadd.s32 s0, s5  }
0xd7: {  	[hbm:s25@s13], [sflag:s14] =	dma.strided [hbm:s5@s13], $0x60, s12, $0x10   }
0xd8: {  	s5 =	sld [smem:$0x17];
	_ =	sdelay $0x3  }
0xd9: {  	s26 =	sshrl.u32 s5, $0x3  }
0xda: {  	s5 =	sshll.u32 s5, $0x7;
	s6 =	smul.u32 $0x1800, s26  }
0xdb: {  	s5 =	sand.u32 $0x380, s5  }
0xdc: {  	s5 =	sor.u32 s5, s6  }
0xdd: {  	s5 =	sshrl.u32 s5, $0x3  }
0xde: {  	s1 =	sadd.s32 $0x70, s31;
	s0 =	sadd.s32 s0, s5  }
0xdf: {  	[hbm:s1@s13], [sflag:s14] =	dma.strided [hbm:s0@s13], $0x60, s12, $0x10   }
0xe0: {  	_ =	swait.ge [sflag:s14], $0x60  }
0xe1: {  	[sflag:s14] =	ssyncset.done $0x0  }
0xe2: {  	[sflag:s14] =	ssyncadd.s32 $0xFFFFFFA0;
	_ =	sdelay $0x2  }
0xe3: {  	_ =	swait.ge [sflag:s14], $0x60  }
0xe4: {  	[sflag:s14] =	ssyncset.done $0x0  }
0xe5: {  	[sflag:s14] =	ssyncadd.s32 $0xFFFFFFA0;
	_ =	sdelay $0x2  }
0xe6: {  	_ =	swait.ge [sflag:s14], $0x60  }
0xe7: {  	[sflag:s14] =	ssyncset.done $0x0  }
0xe8: {  	[sflag:s14] =	ssyncadd.s32 $0xFFFFFFA0;
	_ =	sdelay $0x2  }
0xe9: {  	_ =	swait.ge [sflag:s14], $0x60  }
0xea: {  	[sflag:s14] =	ssyncset.done $0x0  }
0xeb: {  	[sflag:s14] =	ssyncadd.s32 $0xFFFFFFA0;
	_ =	sdelay $0x2  }
0xec: {  	_ =	swait.ge [sflag:s14], $0x60  }
0xed: {  	[sflag:s14] =	ssyncset.done $0x0  }
0xee: {  	[sflag:s14] =	ssyncadd.s32 $0xFFFFFFA0;
	_ =	sdelay $0x2  }
0xef: {  	_ =	swait.ge [sflag:s14], $0x60  }
0xf0: {  	[sflag:s14] =	ssyncset.done $0x0  }
0xf1: {  	[sflag:s14] =	ssyncadd.s32 $0xFFFFFFA0;
	_ =	sdelay $0x2  }
0xf2: {  	_ =	swait.ge [sflag:s14], $0x60  }
0xf3: {  	[sflag:s14] =	ssyncset.done $0x0  }
0xf4: {  	[sflag:s14] =	ssyncadd.s32 $0xFFFFFFA0;
	_ =	sdelay $0x2  }
0xf5: {  	_ =	swait.ge [sflag:s14], $0x60  }
0xf6: {  	[sflag:s14] =	ssyncset.done $0x0  }
0xf7: {  	[sflag:s14] =	ssyncadd.s32 $0xFFFFFFA0  }
0xf8: {  	_ =	strace $0x90000046  }
0xf9: {  	_ =	sfence  }
0xfa: {  	s28 =	sld [smem:$0x0];
	_ =	sdelay $0x1  }
0xfb: {  	s29 =	srdreg.scid  }
0xfc: {  	s30 =	sshll.u32 s29, $0xD;
	s31 =	sshrl.u32 s29, $0x2  }
0xfd: {  	s2 =	sand.u32 $0x4000, s30;
	s1 =	sand.u32 $0x1, s29;
	s0 =	sadd.s32 s31, s28  }
0xfe: {  	s1 =	sor.u32 s2, s1;
	s0 =	sshll.u32 s0, $0x11  }
0xff: {  	s0 =	sor.u32 s0, s1  }
0x100: {  	s0 =	sadd.s32 $0x8F2B, s0;
	(pc) =	sbr.abs _section_cstart, $3  }
0x101: {  	[sflag:s0] =	ssyncadd.remote.s32 $0x1  }
0x102: {  	_ =	strace $0x9FFFFFFF  }
0x103: {  	(tm) =	ssettm $0x7FFFFFFF  }

</sc_bundles>
